<compile_context>
chip_gen: v7x
topology: tpu7x:2x2x1
jax: 0.10.2.dev20260603
libtpu: 0.0.44.dev20260713+nightly
codegen_flags: <defaults>
</compile_context>

<pallas_src>
import functools

import jax
import jax.numpy as jnp
from jax import lax
from jax.experimental import pallas as pl
from jax.experimental.pallas import tpu as pltpu
from jax.experimental.pallas import tpu_sc as plsc

N = 10000
E = 160000
F = 128
H = 2
NS = 16
LANES = 16
BLK = 5000
NBLK = N // BLK
ROWP = 5120
MBLK = 2 * NS * ROWP

ER = E // F
ERP = 1280
WR = ERP // NS
NPAD = 10240


def _tc_extract_body(a_ref, b_ref, o_ref):
    ra = a_ref[1:2, :].reshape(ER, F)
    rb = b_ref[1:2, :].reshape(ER, F)
    pad = jnp.full((ERP - ER, F), N, jnp.int32)
    o_ref[...] = jnp.concatenate([ra, pad, rb, pad], axis=0)


_tc_extract = pl.pallas_call(
    _tc_extract_body,
    out_shape=jax.ShapeDtypeStruct((2 * ERP, F), jnp.int32),
)


def _sc_mask_body(dst_hbm, out_hbm, idx_v, mask_v, sem):
    c = lax.axis_index("c")
    s = lax.axis_index("s")

    cp = pltpu.async_copy(
        dst_hbm.at[pl.ds(c * ERP + s * WR, WR), :], idx_v, sem)

    zeros = jnp.zeros((LANES,), jnp.float32)

    @plsc.parallel_loop(0, NPAD // LANES, unroll=16)
    def _zero(i):
        mask_v[pl.ds(i * LANES, LANES)] = zeros

    cp.wait()

    ones = jnp.ones((LANES,), jnp.float32)

    @plsc.parallel_loop(0, WR, unroll=2)
    def _scatter(r):
        for k in range(F // LANES):
            iv = idx_v[r, pl.ds(k * LANES, LANES)]
            plsc.store_scatter(mask_v, [iv], ones)

    outs = [
        pltpu.async_copy(
            mask_v.at[pl.ds(i * BLK, BLK)],
            out_hbm.at[pl.ds(i * MBLK + (c * NS + s) * ROWP, BLK)],
            sem)
        for i in range(NBLK)
    ]
    for cp_out in outs:
        cp_out.wait()


_sc_masks = functools.partial(
    pl.kernel,
    mesh=plsc.VectorSubcoreMesh(core_axis_name="c", subcore_axis_name="s"),
    out_type=jax.ShapeDtypeStruct((NBLK * MBLK,), jnp.float32),
    scratch_types=[
        pltpu.VMEM((WR, F), jnp.int32),
        pltpu.VMEM((NPAD,), jnp.float32),
        pltpu.SemaphoreType.DMA,
    ],
    compiler_params=pltpu.CompilerParams(
        needs_layout_passes=False, use_tc_tiling_on_sc=False),
)(_sc_mask_body)


def _tc_apply_body(m_ref, hp_ref, hs_ref, bp_ref, bs_ref, op_ref, os_ref):
    ones_row = jnp.ones((1, F), jnp.float32)
    dn = (((0,), (0,)), ((), ()))

    def counts(etype):
        cnt = m_ref[pl.ds(etype * NS * ROWP, BLK)]
        for j in range(1, NS):
            cnt = cnt + m_ref[pl.ds((etype * NS + j) * ROWP, BLK)]
        return lax.dot_general(cnt[None, :], ones_row, dn,
                               preferred_element_type=jnp.float32)

    def bias_row(b_ref):
        return ((b_ref[pl.ds(0, F)] + b_ref[pl.ds(F, F)]) * 0.5)[None, :]

    csp = counts(0)
    cps = counts(1)
    op_ref[...] = jnp.where(csp > 0.0, hp_ref[...], 0.0) + bias_row(bp_ref)
    os_ref[...] = jnp.where(cps > 0.0, hs_ref[...], 0.0) + bias_row(bs_ref)


def kernel(h_sent, h_pair, rel_ctx_sp, rel_ctx_ps, W_src, W_dst, attn_l_sp,
           attn_r_sp, attn_l_ps, attn_r_ps, bias_sent, bias_pair,
           edge_index_sp, edge_index_ps):
    dst_all = _tc_extract(edge_index_sp.astype(jnp.int32),
                          edge_index_ps.astype(jnp.int32))

    masks = _sc_masks(dst_all)

    out_pair, out_sent = pl.pallas_call(
        _tc_apply_body,
        grid=(NBLK,),
        in_specs=[
            pl.BlockSpec((MBLK,), lambda i: (i,)),
            pl.BlockSpec((BLK, F), lambda i: (i, 0)),
            pl.BlockSpec((BLK, F), lambda i: (i, 0)),
            pl.BlockSpec((H * F,), lambda i: (0,)),
            pl.BlockSpec((H * F,), lambda i: (0,)),
        ],
        out_specs=[
            pl.BlockSpec((BLK, F), lambda i: (i, 0)),
            pl.BlockSpec((BLK, F), lambda i: (i, 0)),
        ],
        out_shape=[
            jax.ShapeDtypeStruct((N, F), jnp.float32),
            jax.ShapeDtypeStruct((N, F), jnp.float32),
        ],
    )(masks, h_pair, h_sent, bias_pair, bias_sent)

    return (out_pair, out_sent)

# --- scband reference (transcript-rebuilt; emitter-appended) ---
"""Pipeline reference for scband-ep-gat-ps-64493228917299 (READ-ONLY COPY).

The authoritative reference and input builder live on the scoring server;
editing this copy changes nothing except your own understanding.
"""

import jax, jax.numpy as jnp
import numpy as np

N = 10000
E = 160000
F = 128
H = 2
D = 128


def _xavier(key, shape, fan_in, fan_out):
    std = float(np.sqrt(2.0) * np.sqrt(2.0 / (fan_in + fan_out)))
    return jax.random.normal(key, shape, dtype=jnp.float32) * std


def setup_inputs(seed: int = 0):
    key = jax.random.key(seed)
    ks = jax.random.split(key, 12)
    return {
        "h_sent": jax.random.normal(ks[0], (N, F), dtype=jnp.float32),
        "h_pair": jax.random.normal(ks[1], (N, F), dtype=jnp.float32),
        "rel_ctx_sp": jax.random.normal(ks[2], (N, F), dtype=jnp.float32),
        "rel_ctx_ps": jax.random.normal(ks[3], (N, F), dtype=jnp.float32),
        "W_src": _xavier(ks[4], (H * D, F), F, H * D),
        "W_dst": _xavier(ks[5], (H * D, D), D, H * D),
        "attn_l_sp": _xavier(ks[6], (1, H, D), D, H * D),
        "attn_r_sp": _xavier(ks[7], (1, H, D), D, H * D),
        "attn_l_ps": _xavier(ks[8], (1, H, D), D, H * D),
        "attn_r_ps": _xavier(ks[9], (1, H, D), D, H * D),
        "bias_sent": jnp.zeros((H * D,), dtype=jnp.float32),
        "bias_pair": jnp.zeros((H * D,), dtype=jnp.float32),
        "edge_index_sp": jax.random.randint(ks[10], (2, E), 0, N),
        "edge_index_ps": jax.random.randint(ks[11], (2, E), 0, N),
    }


def _segment_softmax(e, seg, n):
    m = jax.ops.segment_max(e, seg, num_segments=n)
    ex = jnp.exp(e - m[seg])
    s = jax.ops.segment_sum(ex, seg, num_segments=n)
    return ex / s[seg]


def reference(h_sent, h_pair, rel_ctx_sp, rel_ctx_ps, W_src, W_dst, attn_l_sp,
              attn_r_sp, attn_l_ps, attn_r_ps, bias_sent, bias_pair,
              edge_index_sp, edge_index_ps):
    # etype 'sp': src = 'sent', dst = 'pair'; h_src = h_sent, h_dst = rel_ctx_sp
    feat_src_sp = (h_sent @ W_src.T).reshape(N, H, D)
    feat_dst_sp = (rel_ctx_sp @ W_dst.T).reshape(N, H, D)
    el_sp = jnp.sum(feat_src_sp * attn_l_sp, axis=-1, keepdims=True)  # [N,H,1]
    er_sp = jnp.sum(feat_dst_sp * attn_r_sp, axis=-1, keepdims=True)
    src_sp, dst_sp = edge_index_sp[0], edge_index_sp[1]
    # u_dot_v('el','er','e') over trailing dim of size 1 -> [E,H,1]
    e_sp = jnp.sum(el_sp[src_sp] * er_sp[dst_sp], axis=-1, keepdims=True)

    # etype 'ps': src = 'pair', dst = 'sent'; h_src = rel_ctx_ps, h_dst = h_sent
    feat_src_ps = (rel_ctx_ps @ W_src.T).reshape(N, H, D)
    feat_dst_ps = (h_sent @ W_dst.T).reshape(N, H, D)
    el_ps = jnp.sum(feat_src_ps * attn_l_ps, axis=-1, keepdims=True)
    er_ps = jnp.sum(feat_dst_ps * attn_r_ps, axis=-1, keepdims=True)
    src_ps, dst_ps = edge_index_ps[0], edge_index_ps[1]
    e_ps = jnp.sum(el_ps[src_ps] * er_ps[dst_ps], axis=-1, keepdims=True)

    # edge_softmax: per-destination-node softmax within each etype
    a_sp = _segment_softmax(e_sp, dst_sp, N)  # [E,H,1]
    a_ps = _segment_softmax(e_ps, dst_ps, N)

    # v_mul_e('ft','a','m') then fn.sum('m','ft_tmp'): message uses DST node ft
    m_sp = h_pair[dst_sp][:, None, :] * a_sp  # [E,H,F]
    ft_tmp_pair = jax.ops.segment_sum(m_sp, dst_sp, num_segments=N)
    m_ps = h_sent[dst_ps][:, None, :] * a_ps
    ft_tmp_sent = jax.ops.segment_sum(m_ps, dst_ps, num_segments=N)

    h_sent_tmp = (ft_tmp_sent + bias_sent.reshape(1, H, D)).mean(axis=1)
    h_pair_tmp = (ft_tmp_pair + bias_pair.reshape(1, H, D)).mean(axis=1)
    return (h_pair_tmp, h_sent_tmp)

if __name__ == "__main__":
    import jax
    _d = setup_inputs()
    print(jax.jit(kernel)(*tuple(_d.values())))

</pallas_src>

<mosaic_0001>
#map = affine_map<(d0, d1) -> (0, 0)>
#map1 = affine_map<(d0, d1) -> (0)>
module attributes {stable_mosaic.version = 14 : i64} {
  func.func @_sc_mask_body(%arg0: i32, %arg1: i32, %arg2: memref<2560x128xi32, #tpu.memory_space<hbm>>, %arg3: memref<327680xf32, #tpu.memory_space<hbm>>, %arg4: memref<80x128xi32, #tpu.memory_space<vmem>>, %arg5: memref<10240xf32, #tpu.memory_space<vmem>>, %arg6: memref<!tpu.dma_semaphore, #tpu.memory_space<semaphore_mem>>) attributes {dimension_semantics = [#tpu.dimension_semantics<core_parallel>, #tpu.dimension_semantics<subcore_parallel>], iteration_bounds = array<i64: 2, 16>, scalar_prefetch = 0 : i64, scratch_operands = 3 : i64, tpu.core_type = #tpu.core_type<sc_vector_subcore>, window_params = [{transform_indices = #map}, {transform_indices = #map1}]} {
    %mul3A = arith.constant 1280 : i32
    %mul3A_0 = arith.muli %arg0, %mul3A : i32
    %mul3A_1 = arith.constant 80 : i32
    %mul3A_2 = arith.muli %arg1, %mul3A_1 : i32
    %add3A = arith.addi %mul3A_0, %mul3A_2 : i32
    %dma_start3A = arith.constant 0 : i32
    %dma_start3A_3 = tpu.memref_slice %arg2[%add3A, %dma_start3A] : memref<2560x128xi32, #tpu.memory_space<hbm>> -> memref<80x128xi32, #tpu.memory_space<hbm>>
    %dma_start3A_4 = arith.constant 0 : i32
    %dma_start3A_5 = tpu.memref_slice %arg2[%add3A, %dma_start3A_4] : memref<2560x128xi32, #tpu.memory_space<hbm>> -> memref<80x128xi32, #tpu.memory_space<hbm>>
    tpu.enqueue_dma source(%dma_start3A_5 : memref<80x128xi32, #tpu.memory_space<hbm>>) target(%arg4 : memref<80x128xi32, #tpu.memory_space<vmem>>) target_semaphore(%arg6 : memref<!tpu.dma_semaphore, #tpu.memory_space<semaphore_mem>>)
    %broadcast_in_dim3A = arith.constant 0.000000e+00 : f32
    %broadcast_in_dim3A_6 = vector.broadcast %broadcast_in_dim3A : f32 to vector<16xf32>
    %parallel_loop3A = arith.constant 0 : i32
    %parallel_loop3A_7 = arith.constant 640 : i32
    %parallel_loop3A_8 = arith.constant 1 : i32
    scf.for %parallel_loop3A_55 = %parallel_loop3A to %parallel_loop3A_7 step %parallel_loop3A_8  : i32 {
      %parallel_loop3A_56 = arith.constant 16 : i32
      %parallel_loop3A_57 = arith.muli %parallel_loop3A_55, %parallel_loop3A_56 : i32
      %parallel_loop3A_58 = arith.index_cast %parallel_loop3A_57 : i32 to index
      %parallel_loop3A_59 = tpu.vector_load %arg5[%parallel_loop3A_58] {strides = array<i32>} : memref<10240xf32, #tpu.memory_space<vmem>>, vector<16xf32>,
      tpu.vector_store %arg5[%parallel_loop3A_58], %broadcast_in_dim3A_6 {strides = array<i32>} : memref<10240xf32, #tpu.memory_space<vmem>>, vector<16xf32>,
    } {sc.loop_unroll_factor = 16 : i64, sc.parallel_access}
    %dma_wait3A = arith.constant 0 : i32
    %dma_wait3A_9 = tpu.memref_slice %arg2[%add3A, %dma_wait3A] : memref<2560x128xi32, #tpu.memory_space<hbm>> -> memref<80x128xi32, #tpu.memory_space<hbm>>
    %dma_wait3A_10 = arith.constant 0 : i32
    %dma_wait3A_11 = tpu.memref_slice %arg2[%add3A, %dma_wait3A_10] : memref<2560x128xi32, #tpu.memory_space<hbm>> -> memref<80x128xi32, #tpu.memory_space<hbm>>
    tpu.wait_dma2 semaphore(%arg6 : memref<!tpu.dma_semaphore, #tpu.memory_space<semaphore_mem>>) src(%dma_wait3A_11 : memref<80x128xi32, #tpu.memory_space<hbm>>) dst(%arg4 : memref<80x128xi32, #tpu.memory_space<vmem>>)
    %broadcast_in_dim3A_12 = arith.constant 1.000000e+00 : f32
    %broadcast_in_dim3A_13 = vector.broadcast %broadcast_in_dim3A_12 : f32 to vector<16xf32>
    %parallel_loop3A_14 = arith.constant 0 : i32
    %parallel_loop3A_15 = arith.constant 80 : i32
    %parallel_loop3A_16 = arith.constant 1 : i32
    scf.for %parallel_loop3A_55 = %parallel_loop3A_14 to %parallel_loop3A_15 step %parallel_loop3A_16  : i32 {
      %parallel_loop3A_56 = arith.index_cast %parallel_loop3A_55 : i32 to index
      %parallel_loop3A_57 = arith.constant 0 : index
      %parallel_loop3A_58 = tpu.vector_load %arg4[%parallel_loop3A_56, %parallel_loop3A_57] {strides = array<i32>} : memref<80x128xi32, #tpu.memory_space<vmem>>, vector<16xi32>,
      tpu.vector_store_idx %arg5[%parallel_loop3A_58], %broadcast_in_dim3A_13 : memref<10240xf32, #tpu.memory_space<vmem>>[vector<16xi32>], vector<16xf32>,
      %parallel_loop3A_59 = arith.index_cast %parallel_loop3A_55 : i32 to index
      %parallel_loop3A_60 = arith.constant 16 : index
      %parallel_loop3A_61 = tpu.vector_load %arg4[%parallel_loop3A_59, %parallel_loop3A_60] {strides = array<i32>} : memref<80x128xi32, #tpu.memory_space<vmem>>, vector<16xi32>,
      tpu.vector_store_idx %arg5[%parallel_loop3A_61], %broadcast_in_dim3A_13 : memref<10240xf32, #tpu.memory_space<vmem>>[vector<16xi32>], vector<16xf32>,
      %parallel_loop3A_62 = arith.index_cast %parallel_loop3A_55 : i32 to index
      %parallel_loop3A_63 = arith.constant 32 : index
      %parallel_loop3A_64 = tpu.vector_load %arg4[%parallel_loop3A_62, %parallel_loop3A_63] {strides = array<i32>} : memref<80x128xi32, #tpu.memory_space<vmem>>, vector<16xi32>,
      tpu.vector_store_idx %arg5[%parallel_loop3A_64], %broadcast_in_dim3A_13 : memref<10240xf32, #tpu.memory_space<vmem>>[vector<16xi32>], vector<16xf32>,
      %parallel_loop3A_65 = arith.index_cast %parallel_loop3A_55 : i32 to index
      %parallel_loop3A_66 = arith.constant 48 : index
      %parallel_loop3A_67 = tpu.vector_load %arg4[%parallel_loop3A_65, %parallel_loop3A_66] {strides = array<i32>} : memref<80x128xi32, #tpu.memory_space<vmem>>, vector<16xi32>,
      tpu.vector_store_idx %arg5[%parallel_loop3A_67], %broadcast_in_dim3A_13 : memref<10240xf32, #tpu.memory_space<vmem>>[vector<16xi32>], vector<16xf32>,
      %parallel_loop3A_68 = arith.index_cast %parallel_loop3A_55 : i32 to index
      %parallel_loop3A_69 = arith.constant 64 : index
      %parallel_loop3A_70 = tpu.vector_load %arg4[%parallel_loop3A_68, %parallel_loop3A_69] {strides = array<i32>} : memref<80x128xi32, #tpu.memory_space<vmem>>, vector<16xi32>,
      tpu.vector_store_idx %arg5[%parallel_loop3A_70], %broadcast_in_dim3A_13 : memref<10240xf32, #tpu.memory_space<vmem>>[vector<16xi32>], vector<16xf32>,
      %parallel_loop3A_71 = arith.index_cast %parallel_loop3A_55 : i32 to index
      %parallel_loop3A_72 = arith.constant 80 : index
      %parallel_loop3A_73 = tpu.vector_load %arg4[%parallel_loop3A_71, %parallel_loop3A_72] {strides = array<i32>} : memref<80x128xi32, #tpu.memory_space<vmem>>, vector<16xi32>,
      tpu.vector_store_idx %arg5[%parallel_loop3A_73], %broadcast_in_dim3A_13 : memref<10240xf32, #tpu.memory_space<vmem>>[vector<16xi32>], vector<16xf32>,
      %parallel_loop3A_74 = arith.index_cast %parallel_loop3A_55 : i32 to index
      %parallel_loop3A_75 = arith.constant 96 : index
      %parallel_loop3A_76 = tpu.vector_load %arg4[%parallel_loop3A_74, %parallel_loop3A_75] {strides = array<i32>} : memref<80x128xi32, #tpu.memory_space<vmem>>, vector<16xi32>,
      tpu.vector_store_idx %arg5[%parallel_loop3A_76], %broadcast_in_dim3A_13 : memref<10240xf32, #tpu.memory_space<vmem>>[vector<16xi32>], vector<16xf32>,
      %parallel_loop3A_77 = arith.index_cast %parallel_loop3A_55 : i32 to index
      %parallel_loop3A_78 = arith.constant 112 : index
      %parallel_loop3A_79 = tpu.vector_load %arg4[%parallel_loop3A_77, %parallel_loop3A_78] {strides = array<i32>} : memref<80x128xi32, #tpu.memory_space<vmem>>, vector<16xi32>,
      tpu.vector_store_idx %arg5[%parallel_loop3A_79], %broadcast_in_dim3A_13 : memref<10240xf32, #tpu.memory_space<vmem>>[vector<16xi32>], vector<16xf32>,
    } {sc.loop_unroll_factor = 2 : i64, sc.parallel_access}
    %mul3A_17 = arith.constant 16 : i32
    %mul3A_18 = arith.muli %arg0, %mul3A_17 : i32
    %add3A_19 = arith.addi %mul3A_18, %arg1 : i32
    %mul3A_20 = arith.constant 5120 : i32
    %mul3A_21 = arith.muli %add3A_19, %mul3A_20 : i32
    %add3A_22 = arith.constant 0 : i32
    %add3A_23 = arith.addi %add3A_22, %mul3A_21 : i32
    %dma_start3A_24 = arith.constant 0 : i32
    %dma_start3A_25 = tpu.memref_slice %arg5[%dma_start3A_24] : memref<10240xf32, #tpu.memory_space<vmem>> -> memref<5000xf32, #tpu.memory_space<vmem>>
    %dma_start3A_26 = tpu.memref_slice %arg3[%add3A_23] : memref<327680xf32, #tpu.memory_space<hbm>> -> memref<5000xf32, #tpu.memory_space<hbm>>
    %dma_start3A_27 = tpu.memref_slice %arg3[%add3A_23] : memref<327680xf32, #tpu.memory_space<hbm>> -> memref<5000xf32, #tpu.memory_space<hbm>>
    %dma_start3A_28 = arith.constant 0 : i32
    %dma_start3A_29 = tpu.memref_slice %arg5[%dma_start3A_28] : memref<10240xf32, #tpu.memory_space<vmem>> -> memref<5000xf32, #tpu.memory_space<vmem>>
    tpu.enqueue_dma source(%dma_start3A_29 : memref<5000xf32, #tpu.memory_space<vmem>>) target(%dma_start3A_27 : memref<5000xf32, #tpu.memory_space<hbm>>) target_semaphore(%arg6 : memref<!tpu.dma_semaphore, #tpu.memory_space<semaphore_mem>>)
    %mul3A_30 = arith.constant 16 : i32
    %mul3A_31 = arith.muli %arg0, %mul3A_30 : i32
    %add3A_32 = arith.addi %mul3A_31, %arg1 : i32
    %mul3A_33 = arith.constant 5120 : i32
    %mul3A_34 = arith.muli %add3A_32, %mul3A_33 : i32
    %add3A_35 = arith.constant 163840 : i32
    %add3A_36 = arith.addi %add3A_35, %mul3A_34 : i32
    %dma_start3A_37 = arith.constant 5000 : i32
    %dma_start3A_38 = tpu.memref_slice %arg5[%dma_start3A_37] : memref<10240xf32, #tpu.memory_space<vmem>> -> memref<5000xf32, #tpu.memory_space<vmem>>
    %dma_start3A_39 = tpu.memref_slice %arg3[%add3A_36] : memref<327680xf32, #tpu.memory_space<hbm>> -> memref<5000xf32, #tpu.memory_space<hbm>>
    %dma_start3A_40 = tpu.memref_slice %arg3[%add3A_36] : memref<327680xf32, #tpu.memory_space<hbm>> -> memref<5000xf32, #tpu.memory_space<hbm>>
    %dma_start3A_41 = arith.constant 5000 : i32
    %dma_start3A_42 = tpu.memref_slice %arg5[%dma_start3A_41] : memref<10240xf32, #tpu.memory_space<vmem>> -> memref<5000xf32, #tpu.memory_space<vmem>>
    tpu.enqueue_dma source(%dma_start3A_42 : memref<5000xf32, #tpu.memory_space<vmem>>) target(%dma_start3A_40 : memref<5000xf32, #tpu.memory_space<hbm>>) target_semaphore(%arg6 : memref<!tpu.dma_semaphore, #tpu.memory_space<semaphore_mem>>)
    %dma_wait3A_43 = arith.constant 0 : i32
    %dma_wait3A_44 = tpu.memref_slice %arg5[%dma_wait3A_43] : memref<10240xf32, #tpu.memory_space<vmem>> -> memref<5000xf32, #tpu.memory_space<vmem>>
    %dma_wait3A_45 = tpu.memref_slice %arg3[%add3A_23] : memref<327680xf32, #tpu.memory_space<hbm>> -> memref<5000xf32, #tpu.memory_space<hbm>>
    %dma_wait3A_46 = tpu.memref_slice %arg3[%add3A_23] : memref<327680xf32, #tpu.memory_space<hbm>> -> memref<5000xf32, #tpu.memory_space<hbm>>
    %dma_wait3A_47 = arith.constant 0 : i32
    %dma_wait3A_48 = tpu.memref_slice %arg5[%dma_wait3A_47] : memref<10240xf32, #tpu.memory_space<vmem>> -> memref<5000xf32, #tpu.memory_space<vmem>>
    tpu.wait_dma2 semaphore(%arg6 : memref<!tpu.dma_semaphore, #tpu.memory_space<semaphore_mem>>) src(%dma_wait3A_48 : memref<5000xf32, #tpu.memory_space<vmem>>) dst(%dma_wait3A_46 : memref<5000xf32, #tpu.memory_space<hbm>>)
    %dma_wait3A_49 = arith.constant 5000 : i32
    %dma_wait3A_50 = tpu.memref_slice %arg5[%dma_wait3A_49] : memref<10240xf32, #tpu.memory_space<vmem>> -> memref<5000xf32, #tpu.memory_space<vmem>>
    %dma_wait3A_51 = tpu.memref_slice %arg3[%add3A_36] : memref<327680xf32, #tpu.memory_space<hbm>> -> memref<5000xf32, #tpu.memory_space<hbm>>
    %dma_wait3A_52 = tpu.memref_slice %arg3[%add3A_36] : memref<327680xf32, #tpu.memory_space<hbm>> -> memref<5000xf32, #tpu.memory_space<hbm>>
    %dma_wait3A_53 = arith.constant 5000 : i32
    %dma_wait3A_54 = tpu.memref_slice %arg5[%dma_wait3A_53] : memref<10240xf32, #tpu.memory_space<vmem>> -> memref<5000xf32, #tpu.memory_space<vmem>>
    tpu.wait_dma2 semaphore(%arg6 : memref<!tpu.dma_semaphore, #tpu.memory_space<semaphore_mem>>) src(%dma_wait3A_54 : memref<5000xf32, #tpu.memory_space<vmem>>) dst(%dma_wait3A_52 : memref<5000xf32, #tpu.memory_space<hbm>>)
    return
  }
}

module attributes {stable_mosaic.version = 14 : i64} {
  func.func @_tc_extract_body(%arg0: memref<2x160000xi32, #tpu.memory_space<vmem>>, %arg1: memref<2x160000xi32, #tpu.memory_space<vmem>>, %arg2: memref<2560x128xi32, #tpu.memory_space<vmem>>) attributes {dimension_semantics = [], scalar_prefetch = 0 : i64, scratch_operands = 0 : i64, tpu.core_type = #tpu.core_type<tc>} {
    %get3A = arith.constant 1 : index
    %get3A_0 = arith.constant 0 : index
    %get3A_1 = vector.load %arg0[%get3A, %get3A_0] : memref<2x160000xi32, #tpu.memory_space<vmem>>, vector<1x160000xi32>
    %reshape3A = vector.shape_cast %get3A_1 : vector<1x160000xi32> to vector<1250x128xi32>
    %get3A_2 = arith.constant 1 : index
    %get3A_3 = arith.constant 0 : index
    %get3A_4 = vector.load %arg1[%get3A_2, %get3A_3] : memref<2x160000xi32, #tpu.memory_space<vmem>>, vector<1x160000xi32>
    %reshape3A_5 = vector.shape_cast %get3A_4 : vector<1x160000xi32> to vector<1250x128xi32>
    %broadcast_in_dim3A = arith.constant 10000 : i32
    %broadcast_in_dim3A_6 = vector.broadcast %broadcast_in_dim3A : i32 to vector<30x128xi32>
    %concatenate3A = tpu.concatenate %reshape3A, %broadcast_in_dim3A_6, %reshape3A_5, %broadcast_in_dim3A_6 in 0 : vector<1250x128xi32>, vector<30x128xi32>, vector<1250x128xi32>, vector<30x128xi32> -> vector<2560x128xi32>
    %swap3A = arith.constant 0 : index
    %swap3A_7 = arith.constant 0 : index
    %swap3A_8 = vector.load %arg2[%swap3A, %swap3A_7] : memref<2560x128xi32, #tpu.memory_space<vmem>>, vector<2560x128xi32>
    tpu.vector_store %arg2[%swap3A, %swap3A_7], %concatenate3A {strides = array<i32>} : memref<2560x128xi32, #tpu.memory_space<vmem>>, vector<2560x128xi32>,
    return
  }
}

module attributes {stable_mosaic.version = 14 : i64} {
  func.func @_tc_apply_body(%arg0: i32, %arg1: memref<163840xf32, #tpu.memory_space<vmem>>, %arg2: memref<5000x128xf32, #tpu.memory_space<vmem>>, %arg3: memref<5000x128xf32, #tpu.memory_space<vmem>>, %arg4: memref<256xf32, #tpu.memory_space<vmem>>, %arg5: memref<256xf32, #tpu.memory_space<vmem>>, %arg6: memref<5000x128xf32, #tpu.memory_space<vmem>>, %arg7: memref<5000x128xf32, #tpu.memory_space<vmem>>) attributes {dimension_semantics = [#tpu.dimension_semantics<arbitrary>], iteration_bounds = array<i64: 2>, scalar_prefetch = 0 : i64, scratch_operands = 0 : i64, tpu.core_type = #tpu.core_type<tc>, window_params = [{transform_indices = @transform_0, window_bounds = array<i64: 163840>}, {transform_indices = @transform_1, window_bounds = array<i64: 5000, 128>}, {transform_indices = @transform_2, window_bounds = array<i64: 5000, 128>}, {pipeline_mode = #tpu.pipeline_mode<synchronous>, transform_indices = @transform_3, window_bounds = array<i64: 256>}, {pipeline_mode = #tpu.pipeline_mode<synchronous>, transform_indices = @transform_4, window_bounds = array<i64: 256>}, {transform_indices = @transform_5, window_bounds = array<i64: 5000, 128>}, {transform_indices = @transform_6, window_bounds = array<i64: 5000, 128>}]} {
    %broadcast_in_dim3A = arith.constant 1.000000e+00 : f32
    %broadcast_in_dim3A_0 = vector.broadcast %broadcast_in_dim3A : f32 to vector<1x128xf32>
    %get3A = arith.constant 0 : index
    %get3A_1 = vector.load %arg1[%get3A] : memref<163840xf32, #tpu.memory_space<vmem>>, vector<5000xf32>
    %get3A_2 = arith.constant 5120 : index
    %get3A_3 = vector.load %arg1[%get3A_2] : memref<163840xf32, #tpu.memory_space<vmem>>, vector<5000xf32>
    %add3A = arith.addf %get3A_1, %get3A_3 : vector<5000xf32>
    %get3A_4 = arith.constant 10240 : index
    %get3A_5 = vector.load %arg1[%get3A_4] : memref<163840xf32, #tpu.memory_space<vmem>>, vector<5000xf32>
    %add3A_6 = arith.addf %add3A, %get3A_5 : vector<5000xf32>
    %get3A_7 = arith.constant 15360 : index
    %get3A_8 = vector.load %arg1[%get3A_7] : memref<163840xf32, #tpu.memory_space<vmem>>, vector<5000xf32>
    %add3A_9 = arith.addf %add3A_6, %get3A_8 : vector<5000xf32>
    %get3A_10 = arith.constant 20480 : index
    %get3A_11 = vector.load %arg1[%get3A_10] : memref<163840xf32, #tpu.memory_space<vmem>>, vector<5000xf32>
    %add3A_12 = arith.addf %add3A_9, %get3A_11 : vector<5000xf32>
    %get3A_13 = arith.constant 25600 : index
    %get3A_14 = vector.load %arg1[%get3A_13] : memref<163840xf32, #tpu.memory_space<vmem>>, vector<5000xf32>
    %add3A_15 = arith.addf %add3A_12, %get3A_14 : vector<5000xf32>
    %get3A_16 = arith.constant 30720 : index
    %get3A_17 = vector.load %arg1[%get3A_16] : memref<163840xf32, #tpu.memory_space<vmem>>, vector<5000xf32>
    %add3A_18 = arith.addf %add3A_15, %get3A_17 : vector<5000xf32>
    %get3A_19 = arith.constant 35840 : index
    %get3A_20 = vector.load %arg1[%get3A_19] : memref<163840xf32, #tpu.memory_space<vmem>>, vector<5000xf32>
    %add3A_21 = arith.addf %add3A_18, %get3A_20 : vector<5000xf32>
    %get3A_22 = arith.constant 40960 : index
    %get3A_23 = vector.load %arg1[%get3A_22] : memref<163840xf32, #tpu.memory_space<vmem>>, vector<5000xf32>
    %add3A_24 = arith.addf %add3A_21, %get3A_23 : vector<5000xf32>
    %get3A_25 = arith.constant 46080 : index
    %get3A_26 = vector.load %arg1[%get3A_25] : memref<163840xf32, #tpu.memory_space<vmem>>, vector<5000xf32>
    %add3A_27 = arith.addf %add3A_24, %get3A_26 : vector<5000xf32>
    %get3A_28 = arith.constant 51200 : index
    %get3A_29 = vector.load %arg1[%get3A_28] : memref<163840xf32, #tpu.memory_space<vmem>>, vector<5000xf32>
    %add3A_30 = arith.addf %add3A_27, %get3A_29 : vector<5000xf32>
    %get3A_31 = arith.constant 56320 : index
    %get3A_32 = vector.load %arg1[%get3A_31] : memref<163840xf32, #tpu.memory_space<vmem>>, vector<5000xf32>
    %add3A_33 = arith.addf %add3A_30, %get3A_32 : vector<5000xf32>
    %get3A_34 = arith.constant 61440 : index
    %get3A_35 = vector.load %arg1[%get3A_34] : memref<163840xf32, #tpu.memory_space<vmem>>, vector<5000xf32>
    %add3A_36 = arith.addf %add3A_33, %get3A_35 : vector<5000xf32>
    %get3A_37 = arith.constant 66560 : index
    %get3A_38 = vector.load %arg1[%get3A_37] : memref<163840xf32, #tpu.memory_space<vmem>>, vector<5000xf32>
    %add3A_39 = arith.addf %add3A_36, %get3A_38 : vector<5000xf32>
    %get3A_40 = arith.constant 71680 : index
    %get3A_41 = vector.load %arg1[%get3A_40] : memref<163840xf32, #tpu.memory_space<vmem>>, vector<5000xf32>
    %add3A_42 = arith.addf %add3A_39, %get3A_41 : vector<5000xf32>
    %get3A_43 = arith.constant 76800 : index
    %get3A_44 = vector.load %arg1[%get3A_43] : memref<163840xf32, #tpu.memory_space<vmem>>, vector<5000xf32>
    %add3A_45 = arith.addf %add3A_42, %get3A_44 : vector<5000xf32>
    %broadcast_in_dim3A_46 = vector.shape_cast %add3A_45 : vector<5000xf32> to vector<1x5000xf32>
    %dot_general3A = arith.constant dense<0.000000e+00> : vector<5000x128xf32>
    %dot_general3A_47 = tpu.matmul %broadcast_in_dim3A_46, %broadcast_in_dim3A_0, %dot_general3A {dimension_numbers = #tpu.dot_dimension_numbers<[0], [0], [1], [1], [0, 1, 1, 1], [], []>, transpose_lhs_hint = false} : vector<1x5000xf32>, vector<1x128xf32>, vector<5000x128xf32> -> vector<5000x128xf32>
    %get3A_48 = arith.constant 81920 : index
    %get3A_49 = vector.load %arg1[%get3A_48] : memref<163840xf32, #tpu.memory_space<vmem>>, vector<5000xf32>
    %get3A_50 = arith.constant 87040 : index
    %get3A_51 = vector.load %arg1[%get3A_50] : memref<163840xf32, #tpu.memory_space<vmem>>, vector<5000xf32>
    %add3A_52 = arith.addf %get3A_49, %get3A_51 : vector<5000xf32>
    %get3A_53 = arith.constant 92160 : index
    %get3A_54 = vector.load %arg1[%get3A_53] : memref<163840xf32, #tpu.memory_space<vmem>>, vector<5000xf32>
    %add3A_55 = arith.addf %add3A_52, %get3A_54 : vector<5000xf32>
    %get3A_56 = arith.constant 97280 : index
    %get3A_57 = vector.load %arg1[%get3A_56] : memref<163840xf32, #tpu.memory_space<vmem>>, vector<5000xf32>
    %add3A_58 = arith.addf %add3A_55, %get3A_57 : vector<5000xf32>
    %get3A_59 = arith.constant 102400 : index
    %get3A_60 = vector.load %arg1[%get3A_59] : memref<163840xf32, #tpu.memory_space<vmem>>, vector<5000xf32>
    %add3A_61 = arith.addf %add3A_58, %get3A_60 : vector<5000xf32>
    %get3A_62 = arith.constant 107520 : index
    %get3A_63 = vector.load %arg1[%get3A_62] : memref<163840xf32, #tpu.memory_space<vmem>>, vector<5000xf32>
    %add3A_64 = arith.addf %add3A_61, %get3A_63 : vector<5000xf32>
    %get3A_65 = arith.constant 112640 : index
    %get3A_66 = vector.load %arg1[%get3A_65] : memref<163840xf32, #tpu.memory_space<vmem>>, vector<5000xf32>
    %add3A_67 = arith.addf %add3A_64, %get3A_66 : vector<5000xf32>
    %get3A_68 = arith.constant 117760 : index
    %get3A_69 = vector.load %arg1[%get3A_68] : memref<163840xf32, #tpu.memory_space<vmem>>, vector<5000xf32>
    %add3A_70 = arith.addf %add3A_67, %get3A_69 : vector<5000xf32>
    %get3A_71 = arith.constant 122880 : index
    %get3A_72 = vector.load %arg1[%get3A_71] : memref<163840xf32, #tpu.memory_space<vmem>>, vector<5000xf32>
    %add3A_73 = arith.addf %add3A_70, %get3A_72 : vector<5000xf32>
    %get3A_74 = arith.constant 128000 : index
    %get3A_75 = vector.load %arg1[%get3A_74] : memref<163840xf32, #tpu.memory_space<vmem>>, vector<5000xf32>
    %add3A_76 = arith.addf %add3A_73, %get3A_75 : vector<5000xf32>
    %get3A_77 = arith.constant 133120 : index
    %get3A_78 = vector.load %arg1[%get3A_77] : memref<163840xf32, #tpu.memory_space<vmem>>, vector<5000xf32>
    %add3A_79 = arith.addf %add3A_76, %get3A_78 : vector<5000xf32>
    %get3A_80 = arith.constant 138240 : index
    %get3A_81 = vector.load %arg1[%get3A_80] : memref<163840xf32, #tpu.memory_space<vmem>>, vector<5000xf32>
    %add3A_82 = arith.addf %add3A_79, %get3A_81 : vector<5000xf32>
    %get3A_83 = arith.constant 143360 : index
    %get3A_84 = vector.load %arg1[%get3A_83] : memref<163840xf32, #tpu.memory_space<vmem>>, vector<5000xf32>
    %add3A_85 = arith.addf %add3A_82, %get3A_84 : vector<5000xf32>
    %get3A_86 = arith.constant 148480 : index
    %get3A_87 = vector.load %arg1[%get3A_86] : memref<163840xf32, #tpu.memory_space<vmem>>, vector<5000xf32>
    %add3A_88 = arith.addf %add3A_85, %get3A_87 : vector<5000xf32>
    %get3A_89 = arith.constant 153600 : index
    %get3A_90 = vector.load %arg1[%get3A_89] : memref<163840xf32, #tpu.memory_space<vmem>>, vector<5000xf32>
    %add3A_91 = arith.addf %add3A_88, %get3A_90 : vector<5000xf32>
    %get3A_92 = arith.constant 158720 : index
    %get3A_93 = vector.load %arg1[%get3A_92] : memref<163840xf32, #tpu.memory_space<vmem>>, vector<5000xf32>
    %add3A_94 = arith.addf %add3A_91, %get3A_93 : vector<5000xf32>
    %broadcast_in_dim3A_95 = vector.shape_cast %add3A_94 : vector<5000xf32> to vector<1x5000xf32>
    %dot_general3A_96 = arith.constant dense<0.000000e+00> : vector<5000x128xf32>
    %dot_general3A_97 = tpu.matmul %broadcast_in_dim3A_95, %broadcast_in_dim3A_0, %dot_general3A_96 {dimension_numbers = #tpu.dot_dimension_numbers<[0], [0], [1], [1], [0, 1, 1, 1], [], []>, transpose_lhs_hint = false} : vector<1x5000xf32>, vector<1x128xf32>, vector<5000x128xf32> -> vector<5000x128xf32>
    %gt3A = arith.constant 0.000000e+00 : f32
    %gt3A_98 = vector.broadcast %gt3A : f32 to vector<5000x128xf32>
    %gt3A_99 = arith.cmpf ogt, %dot_general3A_47, %gt3A_98 : vector<5000x128xf32>
    %get3A_100 = arith.constant 0 : index
    %get3A_101 = arith.constant 0 : index
    %get3A_102 = vector.load %arg2[%get3A_100, %get3A_101] : memref<5000x128xf32, #tpu.memory_space<vmem>>, vector<5000x128xf32>
    %jit3A = arith.constant 0.000000e+00 : f32
    %broadcast_in_dim3A_103 = vector.broadcast %jit3A : f32 to vector<5000x128xf32>
    %select_n3A = arith.select %gt3A_99, %get3A_102, %broadcast_in_dim3A_103 : vector<5000x128xi1>, vector<5000x128xf32>
    %get3A_104 = arith.constant 0 : index
    %get3A_105 = vector.load %arg4[%get3A_104] : memref<256xf32, #tpu.memory_space<vmem>>, vector<128xf32>
    %get3A_106 = arith.constant 128 : index
    %get3A_107 = vector.load %arg4[%get3A_106] : memref<256xf32, #tpu.memory_space<vmem>>, vector<128xf32>
    %add3A_108 = arith.addf %get3A_105, %get3A_107 : vector<128xf32>
    %mul3A = arith.constant 5.000000e-01 : f32
    %mul3A_109 = vector.broadcast %mul3A : f32 to vector<128xf32>
    %mul3A_110 = arith.mulf %add3A_108, %mul3A_109 : vector<128xf32>
    %broadcast_in_dim3A_111 = vector.shape_cast %mul3A_110 : vector<128xf32> to vector<1x128xf32>
    %add3A_112 = vector.broadcast %broadcast_in_dim3A_111 : vector<1x128xf32> to vector<5000x128xf32>
    %add3A_113 = arith.addf %select_n3A, %add3A_112 : vector<5000x128xf32>
    %swap3A = arith.constant 0 : index
    %swap3A_114 = arith.constant 0 : index
    %swap3A_115 = vector.load %arg6[%swap3A, %swap3A_114] : memref<5000x128xf32, #tpu.memory_space<vmem>>, vector<5000x128xf32>
    tpu.vector_store %arg6[%swap3A, %swap3A_114], %add3A_113 {strides = array<i32>} : memref<5000x128xf32, #tpu.memory_space<vmem>>, vector<5000x128xf32>,
    %gt3A_116 = arith.constant 0.000000e+00 : f32
    %gt3A_117 = vector.broadcast %gt3A_116 : f32 to vector<5000x128xf32>
    %gt3A_118 = arith.cmpf ogt, %dot_general3A_97, %gt3A_117 : vector<5000x128xf32>
    %get3A_119 = arith.constant 0 : index
    %get3A_120 = arith.constant 0 : index
    %get3A_121 = vector.load %arg3[%get3A_119, %get3A_120] : memref<5000x128xf32, #tpu.memory_space<vmem>>, vector<5000x128xf32>
    %jit3A_122 = arith.constant 0.000000e+00 : f32
    %broadcast_in_dim3A_123 = vector.broadcast %jit3A_122 : f32 to vector<5000x128xf32>
    %select_n3A_124 = arith.select %gt3A_118, %get3A_121, %broadcast_in_dim3A_123 : vector<5000x128xi1>, vector<5000x128xf32>
    %get3A_125 = arith.constant 0 : index
    %get3A_126 = vector.load %arg5[%get3A_125] : memref<256xf32, #tpu.memory_space<vmem>>, vector<128xf32>
    %get3A_127 = arith.constant 128 : index
    %get3A_128 = vector.load %arg5[%get3A_127] : memref<256xf32, #tpu.memory_space<vmem>>, vector<128xf32>
    %add3A_129 = arith.addf %get3A_126, %get3A_128 : vector<128xf32>
    %mul3A_130 = arith.constant 5.000000e-01 : f32
    %mul3A_131 = vector.broadcast %mul3A_130 : f32 to vector<128xf32>
    %mul3A_132 = arith.mulf %add3A_129, %mul3A_131 : vector<128xf32>
    %broadcast_in_dim3A_133 = vector.shape_cast %mul3A_132 : vector<128xf32> to vector<1x128xf32>
    %add3A_134 = vector.broadcast %broadcast_in_dim3A_133 : vector<1x128xf32> to vector<5000x128xf32>
    %add3A_135 = arith.addf %select_n3A_124, %add3A_134 : vector<5000x128xf32>
    %swap3A_136 = arith.constant 0 : index
    %swap3A_137 = arith.constant 0 : index
    %swap3A_138 = vector.load %arg7[%swap3A_136, %swap3A_137] : memref<5000x128xf32, #tpu.memory_space<vmem>>, vector<5000x128xf32>
    tpu.vector_store %arg7[%swap3A_136, %swap3A_137], %add3A_135 {strides = array<i32>} : memref<5000x128xf32, #tpu.memory_space<vmem>>, vector<5000x128xf32>,
    return
  }
  func.func @transform_0(%arg0: i32) -> i32 {
    %c0_i32 = arith.constant 0 : i32
    return %arg0 : i32
  }
  func.func @transform_1(%arg0: i32) -> (i32, i32) {
    %c0_i32 = arith.constant 0 : i32
    %c0_i32_0 = arith.constant 0 : i32
    return %arg0, %c0_i32 : i32, i32
  }
  func.func @transform_2(%arg0: i32) -> (i32, i32) {
    %c0_i32 = arith.constant 0 : i32
    %c0_i32_0 = arith.constant 0 : i32
    return %arg0, %c0_i32 : i32, i32
  }
  func.func @transform_3(%arg0: i32) -> i32 {
    %c0_i32 = arith.constant 0 : i32
    %c0_i32_0 = arith.constant 0 : i32
    return %c0_i32 : i32
  }
  func.func @transform_4(%arg0: i32) -> i32 {
    %c0_i32 = arith.constant 0 : i32
    %c0_i32_0 = arith.constant 0 : i32
    return %c0_i32 : i32
  }
  func.func @transform_5(%arg0: i32) -> (i32, i32) {
    %c0_i32 = arith.constant 0 : i32
    %c0_i32_0 = arith.constant 0 : i32
    return %arg0, %c0_i32 : i32, i32
  }
  func.func @transform_6(%arg0: i32) -> (i32, i32) {
    %c0_i32 = arith.constant 0 : i32
    %c0_i32_0 = arith.constant 0 : i32
    return %arg0, %c0_i32 : i32, i32
  }
}

</mosaic_0001>

<sc_bundles>
// kernel: kernel.5.cloned.1.call-start
scs
__scs_entry_jumppad:
0x0: {  	(pc) =	sbr.rel $0x88, $3  }
0x1: {  	(tag) =	ssettag $0x0;
	lr =	simm.s32 $0x1  }
0x2: {  	[smem:$0x3F9B] =	sst lr;
	_ =	strace $0xD0000000  }
0x3: {  	_ = 	snop  }
0x4: {  	_ = 	snop  }
0x5: {  	_ = 	snop  }
0x6: {  	_ = 	snop  }
0x7: {  	_ = 	snop  }
__scs_overlays_trampoline_lowered:
0x8: {  	[smem:$0x3FAA] =	sst s0  }
0x9: {  	[smem:$0x3FAB] =	sst s1  }
0xa: {  	[smem:$0x3FAC] =	sst s2  }
0xb: {  	[smem:$0x3FAD] =	sst s3  }
0xc: {  	[smem:$0x3FAE] =	sst s4  }
0xd: {  	[smem:$0x3FAF] =	sst s5  }
0xe: {  	[smem:$0x3FB0] =	sst s6  }
0xf: {  	[smem:$0x3FB1] =	sst s7  }
0x10: {  	[smem:$0x3FB2] =	sst s8  }
0x11: {  	[smem:$0x3FB3] =	sst s9;
	s0 =	simm.s32 @!p0 $0x0  }
0x12: {  	s1 =	sld [smem:$0x3F99];
	s0 =	simm.s32 @p0 $0x1  }
0x13: {  	[smem:$0x3FB4] =	sst s0;
	s0 =	simm.s32 @!p1 $0x0  }
0x14: {  	s2 =	sld [smem:$0x3F98];
	s0 =	simm.s32 @p1 $0x1  }
0x15: {  	[smem:$0x3FB5] =	sst s0;
	s0 =	simm.s32 @!p2 $0x0  }
0x16: {  	s3 =	sld [smem:$0x3FDB];
	s0 =	simm.s32 @p2 $0x1  }
0x17: {  	s4 =	simm.s32 $0x1BF5;
	[smem:$0x3FB7] =	sst s0  }
0x18: {  	s0 =	sld [smem:$0x3F9A];
	_ =	swait.ge [sflag:s4], $0x0  }
0x19: {  	s7 =	sld [smem:$0x3F9B]  }
0x1a: {  	s8 =	sadd.s32 $0xFFFFE003, lr  }
0x1b: {  	s9 =	sadd.s32 $0xFFFFFEF7, lr;
	s5 =	simm.s32 $0xFFFFFFFF;
	p2 =	slt.u32 s8, $0xFFFFF086  }
0x1c: {  	p1 =	slt.u32 s9, $0xF7A;
	s5 =	simm.s32 @!p2 $0x0  }
0x1d: {  	s5 =	simm.s32 @p1 $0x1;
	p0 =	seq.s32 s7, s2  }
0x1e: {  	s7 =	smul.u32 @!p0 $0xF7A, s2;
	p2 =	seq.s32 @!p0 s5, $0x0  }
0x1f: {  	s9 =	smul.u32 $0xF7A, s1;
	s8 =	simm.s32 @!p0 $0x1BF5;
	p2 =	por !p2, p0  }
0x20: {  	[sflag:s8] =	ssyncset.s32 @!p0 $0xFFFFF086;
	s6 =	sadd.s32 @!p0 s3, s7;
	s7 =	simm.s32 @!p0 $0x108  }
0x21: {  	s3 =	sadd.s32 s3, s9;
	s6 =	sadd.s32 @!p0 $0x88, s6;
	s7 =	simm.s32 @p2 $0x1082  }
0x22: {  	[simem:s7], [sflag:s8] =	dma.local @!p0 [hbm:s6], $0xF7A  }
0x23: {  	s9 =	sor.u32 $0xD0000000, s2;
	s6 =	simm.s32 $0x108;
	_ =	swait.ge @!p0 [sflag:s8], $0x0  }
0x24: {  	s3 =	sadd.s32 $0x88, s3;
	s6 =	simm.s32 @!p1 $0x1082;
	[sflag:s4] =	ssyncset.s32 $0xFFFFF086  }
0x25: {  	[simem:s6], [sflag:s4] =	dma.local [hbm:s3], $0xF7A  }
0x26: {  	[smem:$0x3F9B] =	sst s1;
	(tag) =	ssettag s2;
	_ =	strace s9  }
0x27: {  	s1 =	sld [smem:$0x3FAB]  }
0x28: {  	s2 =	sld [smem:$0x3FAC]  }
0x29: {  	s4 =	sld [smem:$0x3FAE]  }
0x2a: {  	p0 =	seq.s32 s5, $0x0;
	s5 =	sld [smem:$0x3FAF]  }
0x2b: {  	s6 =	sld [smem:$0x3FB0]  }
0x2c: {  	s7 =	sld [smem:$0x3FB1]  }
0x2d: {  	s3 =	simm.s32 $0x108;
	s8 =	sld [smem:$0x3FB2]  }
0x2e: {  	s3 =	simm.s32 @!p0 $0x1082;
	s9 =	sld [smem:$0x3FB3]  }
0x2f: {  	lr =	sadd.s32 s0, s3;
	s0 =	sld [smem:$0x3FAA]  }
0x30: {  	s3 =	sld [smem:$0x3FAD]  }
0x31: {  	[smem:$0x3FB6] =	sst s10  }
0x32: {  	s10 =	sld [smem:$0x3FB4];
	_ =	sdelay $0x3  }
0x33: {  	p0 =	seq.s32 s10, $0x1;
	s10 =	sld [smem:$0x3FB6];
	_ =	sdelay $0x3  }
0x34: {  	[smem:$0x3FB6] =	sst s10  }
0x35: {  	s10 =	sld [smem:$0x3FB5];
	_ =	sdelay $0x3  }
0x36: {  	p1 =	seq.s32 s10, $0x1;
	s10 =	sld [smem:$0x3FB6];
	_ =	sdelay $0x3  }
0x37: {  	[smem:$0x3FB6] =	sst s10  }
0x38: {  	s10 =	sld [smem:$0x3FB7]  }
0x39: {  	_ = 	snop;
	(pc) =	sbr.ind lr, $3  }
0x3a: {  	_ = 	snop  }
0x3b: {  	_ = 	snop  }
0x3c: {  	p2 =	seq.s32 s10, $0x1;
	s10 =	sld [smem:$0x3FB6]  }
0x3d: {  	_ =	shalt  }
0x3e: {  	_ =	shalt  }
0x3f: {  	_ =	shalt  }
0x40: {  	_ =	shalt  }
0x41: {  	_ =	shalt  }
0x42: {  	_ =	shalt  }
0x43: {  	_ =	shalt  }
0x44: {  	_ =	shalt  }
0x45: {  	_ =	shalt  }
0x46: {  	_ =	shalt  }
0x47: {  	_ =	shalt  }
0x48: {  	_ =	shalt  }
0x49: {  	_ =	shalt  }
0x4a: {  	_ =	shalt  }
0x4b: {  	_ =	shalt  }
0x4c: {  	_ =	shalt  }
0x4d: {  	_ =	shalt  }
0x4e: {  	_ =	shalt  }
0x4f: {  	_ =	shalt  }
0x50: {  	_ =	shalt  }
0x51: {  	_ =	shalt  }
0x52: {  	_ =	shalt  }
0x53: {  	_ =	shalt  }
0x54: {  	_ =	shalt  }
0x55: {  	_ =	shalt  }
0x56: {  	_ =	shalt  }
0x57: {  	_ =	shalt  }
0x58: {  	_ =	shalt  }
0x59: {  	_ =	shalt  }
0x5a: {  	_ =	shalt  }
0x5b: {  	_ =	shalt  }
0x5c: {  	_ =	shalt  }
0x5d: {  	_ =	shalt  }
0x5e: {  	_ =	shalt  }
0x5f: {  	_ =	shalt  }
0x60: {  	_ =	shalt  }
0x61: {  	_ =	shalt  }
0x62: {  	_ =	shalt  }
0x63: {  	_ =	shalt  }
0x64: {  	_ =	shalt  }
0x65: {  	_ =	shalt  }
0x66: {  	_ =	shalt  }
0x67: {  	_ =	shalt  }
0x68: {  	_ =	shalt  }
0x69: {  	_ =	shalt  }
0x6a: {  	_ =	shalt  }
0x6b: {  	_ =	shalt  }
0x6c: {  	_ =	shalt  }
0x6d: {  	_ =	shalt  }
0x6e: {  	_ =	shalt  }
0x6f: {  	_ =	shalt  }
0x70: {  	_ =	shalt  }
0x71: {  	_ =	shalt  }
0x72: {  	_ =	shalt  }
0x73: {  	_ =	shalt  }
0x74: {  	_ =	shalt  }
0x75: {  	_ =	shalt  }
0x76: {  	_ =	shalt  }
0x77: {  	_ =	shalt  }
0x78: {  	_ =	shalt  }
0x79: {  	_ =	shalt  }
0x7a: {  	_ =	shalt  }
0x7b: {  	_ =	shalt  }
0x7c: {  	_ =	shalt  }
0x7d: {  	_ =	shalt  }
0x7e: {  	_ =	shalt  }
0x7f: {  	_ =	shalt  }
0x80: {  	_ =	shalt  }
0x81: {  	_ =	shalt  }
0x82: {  	_ =	shalt  }
0x83: {  	_ =	shalt  }
0x84: {  	_ =	shalt  }
0x85: {  	_ =	shalt  }
0x86: {  	_ =	shalt  }
0x87: {  	_ =	shalt  }
.Lfunc_end0:
.L_simem_size_0:
called_computation_lowered:
.L_overlay_start_0:
0x88: {  	s2 =	sld [smem:$0x3FD9]  }
0x89: {  	s3 =	sld [smem:$0x3FFE];
	_ =	sdelay $0x1  }
0x8a: {  	s1 =	srdreg.scid  }
0x8b: {  	s0 =	sand.u32 $0x1, s1  }
0x8c: {  	s15 =	sshll.u32 s0, $0xA;
	s2 =	sadd.s32 s3, s2  }
0x8d: {  	s2 =	sadd.s32 s2, s15  }
0x8e: {  	[smem:$0x3FC2] =	sst s2  }
0x8f: {  	_ = 	snop  }
0x90: {  	s2 =	sld [smem:$0x3FD0];
	_ =	sdelay $0x2  }
0x91: {  	s16 =	simm.s32 $0xA;
	s4 =	simm.s32 $0x10  }
0x92: {  	[smem:s4], [sflag:s16] =	dma.local [hbm:s2], $0x1  }
0x93: {  	_ =	swait.eq [sflag:s16], $0x1  }
0x94: {  	[sflag:s16] =	ssyncset.done $0x0  }
0x95: {  	s17 =	sld [smem:$0x10];
	[sflag:s16] =	ssyncadd.s32 $0xFFFFFFFF  }
0x96: {  	s18 =	sld [smem:$0x11];
	(tm) =	ssettm $0x1  }
0x97: {  	s19 =	sld [smem:$0x3FFB];
	_ =	sdelay $0x3  }
0x98: {  	_ =	strace s19  }
0x99: {  	s4 =	sld [smem:$0x3FFC];
	_ =	sdelay $0x3  }
0x9a: {  	_ =	strace s4  }
0x9b: {  	s4 =	sld [smem:$0x3FFD];
	_ =	sdelay $0x3  }
0x9c: {  	_ =	strace s4  }
0x9d: {  	_ =	strace $0x8FFFFFFF  }
0x9e: {  	s20 =	sld [smem:$0x3FDB];
	_ =	sdelay $0x1  }
0x9f: {  	s5 =	simm.s32 $_scs_section_size  }
0xa0: {  	s6 =	simm.s32 $_size__tile_overlayer_lowered;
	s7 =	simm.s32 $_tile_overlayer_lowered  }
0xa1: {  	s23 =	simm.s32 $0x1BFF;
	s22 =	sshll.u32 s7, $0x1;
	s4 =	sadd.s32 s5, s20  }
0xa2: {  	s8 =	simm.s32 $0x0;
	s21 =	sshll.u32 s6, $0x1;
	s6 =	sadd.s32 s22, s4  }
0xa3: {  	[timem:s8], [sflag:s23] =	dma.local [hbm:s6], s21  }
0xa4: {  	_ =	swait.ge [sflag:s23], s21  }
0xa5: {  	s5 =	ssub.s32 $0x0, s21;
	[sflag:s23] =	ssyncset.done $0x0  }
0xa6: {  	[sflag:s23] =	ssyncadd.s32 s5;
	_ =	sdelay $0x1  }
0xa7: {  	s24 =	simm.s32 $0x1B8B  }
0xa8: {  	_ =	swait.ge [sflag:s24], $0x1  }
0xa9: {  	[sflag:s24] =	ssyncset.done $0x0  }
0xaa: {  	s25 =	simm.s32 $0x1B8E;
	[sflag:s24] =	ssyncadd.s32 $0xFFFFFFFF  }
0xab: {  	s26 =	simm.s32 $execute0_lowered;
	[smem:$0x3FD2] =	sst s25  }
0xac: {  	s5 =	sshll.u32 s26, $0x1;
	_ =	strace $0x80000046;
	[dreg:$0x1] =	wrdreg $0xFFFFFFFF  }
0xad: {  	s28 =	simm.s32 $_size_execute0_lowered;
	s4 =	sadd.s32 s4, s5;
	[dreg:$0x0] =	wrdreg $0x0  }
0xae: {  	s5 =	sshll.u32 s28, $0x1;
	[dreg:$0x2] =	wrdreg s4  }
0xaf: {  	[dreg:$0x3] =	wrdreg s5  }
0xb0: {  	[dreg:$0x4] =	wrdreg $0xC0  }
0xb1: {  	_ =	task [dreg:s8], $0x5FFFF  }
0xb2: {  	[dreg:$0x1] =	wrdreg $0xFFFFFFFF  }
0xb3: {  	[dreg:$0x0] =	wrdreg $0x60  }
0xb4: {  	[dreg:$0x2] =	wrdreg s18  }
0xb5: {  	[dreg:$0x3] =	wrdreg s17  }
0xb6: {  	[dreg:$0x4] =	wrdreg $0x9  }
0xb7: {  	_ =	task.clear_ibuf [dreg:s8], $0x5FFFF;
	_ =	strace $0x90000046  }
0xb8: {  	s29 =	simm.s32 $0x9;
	_ =	strace $0x80000048  }
0xb9: {  	_ =	swait.ge [sflag:s29], $0x1  }
0xba: {  	[sflag:s29] =	ssyncadd.s32 $0xFFFFFFFF  }
0xbb: {  	_ =	strace $0x90000048  }
0xbc: {  	_ =	sfence  }
0xbd: {  	s30 =	sld [smem:$0x0];
	_ =	sdelay $0x2  }
0xbe: {  	s31 =	sshll.u32 s1, $0xD;
	s1 =	sshrl.u32 s1, $0x2  }
0xbf: {  	s3 =	sand.u32 $0x4000, s31;
	s1 =	sadd.s32 s1, s30  }
0xc0: {  	s0 =	sor.u32 s3, s0;
	s1 =	sshll.u32 s1, $0x11  }
0xc1: {  	s0 =	sor.u32 s1, s0  }
0xc2: {  	s0 =	sadd.s32 $0x8F2B, s0  }
0xc3: {  	[sflag:s0] =	ssyncadd.remote.s32 $0x1  }
0xc4: {  	_ =	sfence.sel $0xFFFF  }
0xc5: {  	[dreg:$0x0] =	wrdreg $0xFFFFFFFF;
	(pc) =	sbr.abs _section_cstart, $3  }
0xc6: {  	[dreg:$0x1] =	wrdreg $0xFFFFFFFF  }
0xc7: {  	_ =	task.clear_ibuf [dreg:s8], $0x2FFFF;
	_ =	strace $0x9FFFFFFF  }
0xc8: {  	(tm) =	ssettm $0x7FFFFFFF  }
0xc9: {  	_ =	shalt  }
tec
execute0_lowered:
.L_overlay_start_1:
0x0: {  	(tag) =	ssettag $0x1  }
0x1: {  	s3 =	rddreg [dreg:$0x0]  }
0x2: {  	s4 =	rddreg [dreg:$0x1];
	s1 =	srdreg.scid  }
0x3: {  	s0 =	rddreg [dreg:$0x2];
	s2 =	simm.s32 $0x0;
	s5 =	sand.u32 $0x1, s1  }
0x4: {  	s1 =	stileid.u32;
	s6 =	smul.u32 $0x5000, s5;
	s7 =	sshll.u32 s5, $0x4  }
0x5: {  	s10 =	simm.s32 $0x0;
	s8 =	smul.u32 $0x500, s1;
	s7 =	sor.u32 s1, s7  }
0x6: {  	[smem:$0x7FF] =	sst s2;
	s5 =	ssub.s32 $0x2, s5;
	s7 =	smul.u32 $0x1400, s7  }
0x7: {  	_ =	strace $0x80000047;
	s9 =	sshrl.u32 s5, $0x1;
	s6 =	sadd.s32 s8, s6  }
0x8: {  	s31 =	ssub.s32 s5, s9;
	s8 =	simm.s32 $0x2800;
	s7 =	sshrl.u32 s7, $0x3  }
0x9: {  	s9 =	simm.s32 $0x3B88;
	s3 =	sadd.s32 s3, s6;
	s4 =	sadd.s32 s4, s7  }
0xa: {  	v0 =	vimm.f32 $0.0e+00;
	v1 =	vimm.f32 $1.000000000e+00;
	s6 =	smax.u32 s31, $0x1;
	s7 =	simm.s32 $0x1;
	s5 =	sadd.s32 $0x5000, s4  }
.LBB2_1:
0xb: {  	[tilespmem:s2], [sflag:$0x1] =	stream.linear.gather [hbm4b:s3+s2], $0x2800, $0x38;
	[tilespmem:$0x5000] =	vst v63  }
0xc: {  	s11 =	simm.s32 $0x2880  }
0xd: {  	[tilespmem:s11+$0xFFFFFF80] =	vst v0  }
0xe: {  	[tilespmem:s11+$0x70] =	vst v0  }
0xf: {  	[tilespmem:s11+$0x60] =	vst v0  }
0x10: {  	[tilespmem:s11+$0x50] =	vst v0  }
0x11: {  	[tilespmem:s11+$0x40] =	vst v0  }
0x12: {  	[tilespmem:s11+$0x30] =	vst v0  }
0x13: {  	[tilespmem:s11+$0x20] =	vst v0  }
0x14: {  	[tilespmem:s11+$0x10] =	vst v0  }
0x15: {  	[tilespmem:s11+$0x0] =	vst v0  }
0x16: {  	[tilespmem:s11+$0xFFFFFFF0] =	vst v0  }
0x17: {  	[tilespmem:s11+$0xFFFFFFE0] =	vst v0  }
0x18: {  	[tilespmem:s11+$0xFFFFFFD0] =	vst v0  }
0x19: {  	[tilespmem:s11+$0xFFFFFFC0] =	vst v0  }
0x1a: {  	[tilespmem:s11+$0xFFFFFFB0] =	vst v0  }
0x1b: {  	s12 =	simm.s32 $0x0;
	[tilespmem:s11+$0xFFFFFFA0] =	vst v0  }
.LBB2_2:
0x1c: {  	s12 =	sadd.s32 $0x10, s12;
	[tilespmem:s11+$0xFFFFFF90] =	vst v0;
	s11 =	sadd.s32 $0x100, s11  }
0x1d: {  	[tilespmem:s11+$0xFFFFFF80] =	vst v0;
	p0 =	slt.u32 s12, $0x270  }
0x1e: {  	[tilespmem:s11+$0x70] =	vst v0  }
0x1f: {  	[tilespmem:s11+$0x60] =	vst v0  }
0x20: {  	[tilespmem:s11+$0x50] =	vst v0  }
0x21: {  	[tilespmem:s11+$0x40] =	vst v0  }
0x22: {  	[tilespmem:s11+$0x30] =	vst v0  }
0x23: {  	[tilespmem:s11+$0x20] =	vst v0  }
0x24: {  	[tilespmem:s11+$0x10] =	vst v0  }
0x25: {  	[tilespmem:s11+$0x0] =	vst v0  }
0x26: {  	[tilespmem:s11+$0xFFFFFFF0] =	vst v0  }
.Ltmp0:
0x27: {  	[tilespmem:s11+$0xFFFFFFE0] =	vst v0;
	(pc) =	sbr.rel @p0 .LBB2_2-.Ltmp0, $4  }
0x28: {  	[tilespmem:s11+$0xFFFFFFD0] =	vst v0  }
0x29: {  	[tilespmem:s11+$0xFFFFFFC0] =	vst v0  }
0x2a: {  	[tilespmem:s11+$0xFFFFFFB0] =	vst v0  }
0x2b: {  	[tilespmem:s11+$0xFFFFFFA0] =	vst v0  }
0x2c: {  	[tilespmem:s11+$0xFFFFFF90] =	vst v0  }
0x2d: {  	_ =	swait.ge [sflag:s7], $0x2800  }
0x2e: {  	[sflag:s7] =	ssyncset.done $0x0  }
0x2f: {  	s15 =	simm.s32 $0x80;
	[sflag:s7] =	ssyncadd.s32 $0xFFFFD800  }
0x30: {  	v2 =	vld [tilespmem:s15+$0x0]  }
0x31: {  	v3 =	vld [tilespmem:s15+$0xFFFFFF80];
	_ =	sdelay $0x6  }
0x32: {  	[tilespmem:v2+s8+$0x0] =	vst.idx.msk $0xffff, v1  }
0x33: {  	[tilespmem:v3+s8+$0x0] =	vst.idx.msk $0xffff, v1;
	v2 =	vld [tilespmem:s15+$0x10]  }
0x34: {  	v3 =	vld [tilespmem:s15+$0xFFFFFF90];
	_ =	sdelay $0x4  }
0x35: {  	s11 =	simm.s32 $0x180  }
0x36: {  	v4 =	vld [tilespmem:s11+$0x0]  }
0x37: {  	v5 =	vld [tilespmem:s11+$0xFFFFFF80];
	[tilespmem:v2+s8+$0x0] =	vst.idx.msk $0xffff, v1  }
0x38: {  	[tilespmem:v3+s8+$0x0] =	vst.idx.msk $0xffff, v1;
	v2 =	vld [tilespmem:s15+$0x20]  }
0x39: {  	v3 =	vld [tilespmem:s15+$0xFFFFFFA0];
	_ =	sdelay $0x4  }
0x3a: {  	[tilespmem:v4+s8+$0x0] =	vst.idx.msk $0xffff, v1  }
0x3b: {  	[tilespmem:v5+s8+$0x0] =	vst.idx.msk $0xffff, v1;
	v4 =	vld [tilespmem:s11+$0x10]  }
0x3c: {  	v5 =	vld [tilespmem:s11+$0xFFFFFF90];
	[tilespmem:v2+s8+$0x0] =	vst.idx.msk $0xffff, v1  }
0x3d: {  	[tilespmem:v3+s8+$0x0] =	vst.idx.msk $0xffff, v1;
	v2 =	vld [tilespmem:s15+$0x30]  }
0x3e: {  	v3 =	vld [tilespmem:s15+$0xFFFFFFB0];
	_ =	sdelay $0x2  }
0x3f: {  	s12 =	simm.s32 $0x280  }
0x40: {  	v6 =	vld [tilespmem:s12+$0x0]  }
0x41: {  	v7 =	vld [tilespmem:s12+$0xFFFFFF80];
	[tilespmem:v4+s8+$0x0] =	vst.idx.msk $0xffff, v1  }
0x42: {  	[tilespmem:v5+s8+$0x0] =	vst.idx.msk $0xffff, v1;
	v4 =	vld [tilespmem:s11+$0x20]  }
0x43: {  	v5 =	vld [tilespmem:s11+$0xFFFFFFA0];
	[tilespmem:v2+s8+$0x0] =	vst.idx.msk $0xffff, v1  }
0x44: {  	[tilespmem:v3+s8+$0x0] =	vst.idx.msk $0xffff, v1;
	v2 =	vld [tilespmem:s15+$0x40]  }
0x45: {  	v3 =	vld [tilespmem:s15+$0xFFFFFFC0];
	_ =	sdelay $0x2  }
0x46: {  	[tilespmem:v6+s8+$0x0] =	vst.idx.msk $0xffff, v1  }
0x47: {  	[tilespmem:v7+s8+$0x0] =	vst.idx.msk $0xffff, v1;
	v6 =	vld [tilespmem:s12+$0x10]  }
0x48: {  	v7 =	vld [tilespmem:s12+$0xFFFFFF90];
	[tilespmem:v4+s8+$0x0] =	vst.idx.msk $0xffff, v1  }
0x49: {  	[tilespmem:v5+s8+$0x0] =	vst.idx.msk $0xffff, v1;
	v4 =	vld [tilespmem:s11+$0x30]  }
0x4a: {  	v5 =	vld [tilespmem:s11+$0xFFFFFFB0];
	[tilespmem:v2+s8+$0x0] =	vst.idx.msk $0xffff, v1  }
0x4b: {  	[tilespmem:v3+s8+$0x0] =	vst.idx.msk $0xffff, v1;
	v2 =	vld [tilespmem:s15+$0x50]  }
0x4c: {  	v3 =	vld [tilespmem:s15+$0xFFFFFFD0]  }
0x4d: {  	s13 =	simm.s32 $0x380  }
0x4e: {  	v8 =	vld [tilespmem:s13+$0x0]  }
0x4f: {  	v9 =	vld [tilespmem:s13+$0xFFFFFF80];
	[tilespmem:v6+s8+$0x0] =	vst.idx.msk $0xffff, v1  }
0x50: {  	[tilespmem:v7+s8+$0x0] =	vst.idx.msk $0xffff, v1;
	v6 =	vld [tilespmem:s12+$0x20]  }
0x51: {  	v7 =	vld [tilespmem:s12+$0xFFFFFFA0];
	[tilespmem:v4+s8+$0x0] =	vst.idx.msk $0xffff, v1  }
0x52: {  	[tilespmem:v5+s8+$0x0] =	vst.idx.msk $0xffff, v1;
	v4 =	vld [tilespmem:s11+$0x40]  }
0x53: {  	v5 =	vld [tilespmem:s11+$0xFFFFFFC0];
	[tilespmem:v2+s8+$0x0] =	vst.idx.msk $0xffff, v1  }
0x54: {  	[tilespmem:v3+s8+$0x0] =	vst.idx.msk $0xffff, v1;
	v2 =	vld [tilespmem:s15+$0x60]  }
0x55: {  	v3 =	vld [tilespmem:s15+$0xFFFFFFE0]  }
0x56: {  	[tilespmem:v8+s8+$0x0] =	vst.idx.msk $0xffff, v1  }
0x57: {  	[tilespmem:v9+s8+$0x0] =	vst.idx.msk $0xffff, v1;
	v8 =	vld [tilespmem:s13+$0x10]  }
0x58: {  	v9 =	vld [tilespmem:s13+$0xFFFFFF90];
	[tilespmem:v6+s8+$0x0] =	vst.idx.msk $0xffff, v1  }
0x59: {  	[tilespmem:v7+s8+$0x0] =	vst.idx.msk $0xffff, v1;
	v6 =	vld [tilespmem:s12+$0x30]  }
0x5a: {  	v7 =	vld [tilespmem:s12+$0xFFFFFFB0];
	[tilespmem:v4+s8+$0x0] =	vst.idx.msk $0xffff, v1  }
0x5b: {  	[tilespmem:v5+s8+$0x0] =	vst.idx.msk $0xffff, v1;
	v4 =	vld [tilespmem:s11+$0x50]  }
0x5c: {  	s14 =	simm.s32 $0x480;
	v5 =	vld [tilespmem:s11+$0xFFFFFFD0];
	[tilespmem:v2+s8+$0x0] =	vst.idx.msk $0xffff, v1  }
0x5d: {  	[tilespmem:v3+s8+$0x0] =	vst.idx.msk $0xffff, v1;
	v3 =	vld [tilespmem:s14+$0x0]  }
0x5e: {  	v2 =	vld [tilespmem:s15+$0x70]  }
0x5f: {  	v10 =	vld [tilespmem:s14+$0xFFFFFF80];
	[tilespmem:v8+s8+$0x0] =	vst.idx.msk $0xffff, v1  }
0x60: {  	[tilespmem:v9+s8+$0x0] =	vst.idx.msk $0xffff, v1;
	v11 =	vld [tilespmem:s13+$0x20]  }
0x61: {  	v12 =	vld [tilespmem:s13+$0xFFFFFFA0];
	[tilespmem:v6+s8+$0x0] =	vst.idx.msk $0xffff, v1  }
0x62: {  	[tilespmem:v7+s8+$0x0] =	vst.idx.msk $0xffff, v1;
	v13 =	vld [tilespmem:s12+$0x40]  }
0x63: {  	v14 =	vld [tilespmem:s12+$0xFFFFFFC0];
	[tilespmem:v4+s8+$0x0] =	vst.idx.msk $0xffff, v1  }
0x64: {  	[tilespmem:v5+s8+$0x0] =	vst.idx.msk $0xffff, v1;
	v15 =	vld [tilespmem:s11+$0x60]  }
0x65: {  	v16 =	vld [tilespmem:s11+$0xFFFFFFE0];
	[tilespmem:v3+s8+$0x0] =	vst.idx.msk $0xffff, v1  }
0x66: {  	[tilespmem:v2+s8+$0x0] =	vst.idx.msk $0xffff, v1;
	v2 =	vld [tilespmem:s15+$0xFFFFFFF0]  }
0x67: {  	[tilespmem:v10+s8+$0x0] =	vst.idx.msk $0xffff, v1;
	v8 =	vld [tilespmem:s14+$0x10]  }
0x68: {  	v9 =	vld [tilespmem:s14+$0xFFFFFF90];
	[tilespmem:v11+s8+$0x0] =	vst.idx.msk $0xffff, v1  }
0x69: {  	[tilespmem:v12+s8+$0x0] =	vst.idx.msk $0xffff, v1;
	v6 =	vld [tilespmem:s13+$0x30]  }
0x6a: {  	v7 =	vld [tilespmem:s13+$0xFFFFFFB0];
	[tilespmem:v13+s8+$0x0] =	vst.idx.msk $0xffff, v1  }
0x6b: {  	[tilespmem:v14+s8+$0x0] =	vst.idx.msk $0xffff, v1;
	v4 =	vld [tilespmem:s12+$0x50]  }
0x6c: {  	v5 =	vld [tilespmem:s12+$0xFFFFFFD0];
	[tilespmem:v15+s8+$0x0] =	vst.idx.msk $0xffff, v1  }
0x6d: {  	s16 =	simm.s32 $0x580;
	[tilespmem:v16+s8+$0x0] =	vst.idx.msk $0xffff, v1;
	v3 =	vld [tilespmem:s11+$0x70];
	s15 =	simm.s32 $0x8  }
.LBB2_4:
0x6e: {  	v10 =	vld [tilespmem:s16+$0x0];
	s15 =	sadd.s32 $0x2, s15;
	[tilespmem:v2+s8+$0x0] =	vst.idx.msk $0xffff, v1  }
0x6f: {  	v11 =	vld [tilespmem:s16+$0xFFFFFF80];
	p0 =	slt.u32 s15, $0x4E;
	[tilespmem:v8+s8+$0x0] =	vst.idx.msk $0xffff, v1  }
0x70: {  	[tilespmem:v9+s8+$0x0] =	vst.idx.msk $0xffff, v1;
	v12 =	vld [tilespmem:s14+$0x20]  }
0x71: {  	v13 =	vld [tilespmem:s14+$0xFFFFFFA0];
	[tilespmem:v6+s8+$0x0] =	vst.idx.msk $0xffff, v1  }
0x72: {  	[tilespmem:v7+s8+$0x0] =	vst.idx.msk $0xffff, v1;
	v14 =	vld [tilespmem:s13+$0x40]  }
0x73: {  	v15 =	vld [tilespmem:s13+$0xFFFFFFC0];
	[tilespmem:v4+s8+$0x0] =	vst.idx.msk $0xffff, v1  }
0x74: {  	[tilespmem:v5+s8+$0x0] =	vst.idx.msk $0xffff, v1;
	v16 =	vld [tilespmem:s12+$0x60]  }
0x75: {  	v17 =	vld [tilespmem:s12+$0xFFFFFFE0];
	[tilespmem:v3+s8+$0x0] =	vst.idx.msk $0xffff, v1  }
0x76: {  	[tilespmem:v10+s8+$0x0] =	vst.idx.msk $0xffff, v1;
	v2 =	vld [tilespmem:s11+$0xFFFFFFF0];
	s11 =	smov.u32 s12;
	s12 =	smov.u32 s13;
	s13 =	smov.u32 s14  }
0x77: {  	s14 =	smov.u32 s16;
	[tilespmem:v11+s8+$0x0] =	vst.idx.msk $0xffff, v1;
	v8 =	vld [tilespmem:s16+$0x10]  }
0x78: {  	v9 =	vld [tilespmem:s16+$0xFFFFFF90];
	[tilespmem:v12+s8+$0x0] =	vst.idx.msk $0xffff, v1  }
.Ltmp1:
0x79: {  	[tilespmem:v13+s8+$0x0] =	vst.idx.msk $0xffff, v1;
	v6 =	vld [tilespmem:s13+$0x30];
	(pc) =	sbr.rel @p0 .LBB2_4-.Ltmp1, $4  }
0x7a: {  	v7 =	vld [tilespmem:s13+$0xFFFFFFB0];
	[tilespmem:v14+s8+$0x0] =	vst.idx.msk $0xffff, v1  }
0x7b: {  	[tilespmem:v15+s8+$0x0] =	vst.idx.msk $0xffff, v1;
	v4 =	vld [tilespmem:s12+$0x50]  }
0x7c: {  	v5 =	vld [tilespmem:s12+$0xFFFFFFD0];
	[tilespmem:v16+s8+$0x0] =	vst.idx.msk $0xffff, v1  }
0x7d: {  	s16 =	sadd.s32 $0x100, s16;
	[tilespmem:v17+s8+$0x0] =	vst.idx.msk $0xffff, v1;
	v3 =	vld [tilespmem:s11+$0x70]  }
0x7e: {  	_ =	sdelay $0x3  }
0x7f: {  	[tilespmem:v8+s8+$0x0] =	vst.idx.msk $0xffff, v1  }
0x80: {  	[tilespmem:v9+s8+$0x0] =	vst.idx.msk $0xffff, v1;
	v8 =	vld [tilespmem:s14+$0x20]  }
0x81: {  	v9 =	vld [tilespmem:s14+$0xFFFFFFA0];
	_ =	sdelay $0x6  }
0x82: {  	[tilespmem:v8+s8+$0x0] =	vst.idx.msk $0xffff, v1  }
0x83: {  	[tilespmem:v9+s8+$0x0] =	vst.idx.msk $0xffff, v1;
	v8 =	vld [tilespmem:s14+$0x30]  }
0x84: {  	v9 =	vld [tilespmem:s14+$0xFFFFFFB0];
	_ =	sdelay $0x4  }
0x85: {  	[tilespmem:v6+s8+$0x0] =	vst.idx.msk $0xffff, v1  }
0x86: {  	[tilespmem:v7+s8+$0x0] =	vst.idx.msk $0xffff, v1;
	v6 =	vld [tilespmem:s13+$0x40]  }
0x87: {  	v7 =	vld [tilespmem:s13+$0xFFFFFFC0];
	[tilespmem:v8+s8+$0x0] =	vst.idx.msk $0xffff, v1  }
0x88: {  	[tilespmem:v9+s8+$0x0] =	vst.idx.msk $0xffff, v1;
	v8 =	vld [tilespmem:s14+$0x40]  }
0x89: {  	v9 =	vld [tilespmem:s14+$0xFFFFFFC0];
	_ =	sdelay $0x4  }
0x8a: {  	[tilespmem:v6+s8+$0x0] =	vst.idx.msk $0xffff, v1  }
0x8b: {  	[tilespmem:v7+s8+$0x0] =	vst.idx.msk $0xffff, v1;
	v6 =	vld [tilespmem:s13+$0x50]  }
0x8c: {  	v7 =	vld [tilespmem:s13+$0xFFFFFFD0];
	[tilespmem:v8+s8+$0x0] =	vst.idx.msk $0xffff, v1  }
0x8d: {  	[tilespmem:v9+s8+$0x0] =	vst.idx.msk $0xffff, v1;
	v8 =	vld [tilespmem:s14+$0x50]  }
0x8e: {  	v9 =	vld [tilespmem:s14+$0xFFFFFFD0];
	_ =	sdelay $0x2  }
0x8f: {  	[tilespmem:v4+s8+$0x0] =	vst.idx.msk $0xffff, v1  }
0x90: {  	[tilespmem:v5+s8+$0x0] =	vst.idx.msk $0xffff, v1;
	v4 =	vld [tilespmem:s12+$0x60]  }
0x91: {  	v5 =	vld [tilespmem:s12+$0xFFFFFFE0];
	[tilespmem:v6+s8+$0x0] =	vst.idx.msk $0xffff, v1  }
0x92: {  	[tilespmem:v7+s8+$0x0] =	vst.idx.msk $0xffff, v1;
	v6 =	vld [tilespmem:s13+$0x60]  }
0x93: {  	v7 =	vld [tilespmem:s13+$0xFFFFFFE0];
	[tilespmem:v8+s8+$0x0] =	vst.idx.msk $0xffff, v1  }
0x94: {  	[tilespmem:v9+s8+$0x0] =	vst.idx.msk $0xffff, v1;
	v8 =	vld [tilespmem:s14+$0x60]  }
0x95: {  	v9 =	vld [tilespmem:s14+$0xFFFFFFE0];
	_ =	sdelay $0x2  }
0x96: {  	v58 =	vld [tilespmem:s11+$0xFFFFFFF0];
	[tilespmem:v4+s8+$0x0] =	vst.idx.msk $0xffff, v1  }
0x97: {  	[tilespmem:v5+s8+$0x0] =	vst.idx.msk $0xffff, v1;
	v59 =	vld [tilespmem:s12+$0x70]  }
0x98: {  	v60 =	vld [tilespmem:s12+$0xFFFFFFF0];
	[tilespmem:v6+s8+$0x0] =	vst.idx.msk $0xffff, v1  }
0x99: {  	[tilespmem:v7+s8+$0x0] =	vst.idx.msk $0xffff, v1;
	v61 =	vld [tilespmem:s13+$0x70]  }
0x9a: {  	v62 =	vld [tilespmem:s13+$0xFFFFFFF0];
	[tilespmem:v8+s8+$0x0] =	vst.idx.msk $0xffff, v1  }
0x9b: {  	[tilespmem:v9+s8+$0x0] =	vst.idx.msk $0xffff, v1;
	v63 =	vld [tilespmem:s14+$0x70]  }
0x9c: {  	[tilespmem:v2+s8+$0x0] =	vst.idx.msk $0xffff, v1;
	v2 =	vld [tilespmem:s14+$0xFFFFFFF0]  }
0x9d: {  	[tilespmem:v3+s8+$0x0] =	vst.idx.msk $0xffff, v1  }
0x9e: {  	[tilespmem:v58+s8+$0x0] =	vst.idx.msk $0xffff, v1  }
0x9f: {  	[tilespmem:v59+s8+$0x0] =	vst.idx.msk $0xffff, v1  }
0xa0: {  	[tilespmem:v60+s8+$0x0] =	vst.idx.msk $0xffff, v1  }
0xa1: {  	[tilespmem:v61+s8+$0x0] =	vst.idx.msk $0xffff, v1  }
0xa2: {  	[tilespmem:v62+s8+$0x0] =	vst.idx.msk $0xffff, v1  }
0xa3: {  	[tilespmem:v63+s8+$0x0] =	vst.idx.msk $0xffff, v1  }
0xa4: {  	[tilespmem:v2+s8+$0x0] =	vst.idx.msk $0xffff, v1  }
0xa5: {  	[hbm4b:s4+s2] =	stream.linear.scatter [tilespmem:s8], [sflag:$0x1], $0x1388, $0x38;
	[tilespmem:$0x5000] =	vst v63  }
0xa6: {  	s10 =	sadd.s32 $0x1, s10  }
0xa7: {  	[hbm4b:s5+s2] =	stream.linear.scatter [tilespmem:s9], [sflag:$0x1], $0x1388, $0x38;
	[tilespmem:$0x5000] =	vst v63  }
0xa8: {  	p0 =	sne.s32 s10, s6;
	_ =	swait.ge [sflag:s7], $0x1388  }
.Ltmp2:
0xa9: {  	[sflag:s7] =	ssyncset.done $0x0;
	(pc) =	sbr.rel @p0 .LBB2_1-.Ltmp2, $4  }
0xaa: {  	[sflag:s7] =	ssyncadd.s32 $0xFFFFEC78  }
0xab: {  	_ =	swait.ge [sflag:s7], $0x1388  }
0xac: {  	[sflag:s7] =	ssyncset.done $0x0  }
0xad: {  	[sflag:s7] =	ssyncadd.s32 $0xFFFFEC78  }
0xae: {  	_ =	sfence.sel $0x180000  }
0xaf: {  	[bflag:$0x0] =	sbarrier.arrive $0xFFFF  }
0xb0: {  	p0 =	sne.s32 s1, $0x0;
	_ =	strace $0x90000047  }
0xb1: {  	s0 =	sadd.s32 @!p0 $0x100000, s0;
	[bflag:$0x2] =	sbarrier.arrive $0xFFFF  }
0xb2: {  	[sflag:s0] =	ssyncadd.tile.s32 @!p0 $0x1;
	_ =	shalt  }
.Lfunc_end2:
_tile_overlayer_lowered:
.L_overlay_start_2:
0xb3: {  	(tag) =	ssettag $0x2  }
0xb4: {  	s0 =	rddreg [dreg:$0x0];
	s2 =	stileid.u32  }
0xb5: {  	s1 =	rddreg [dreg:$0x1];
	p0 =	sne.s32 s2, $0x0  }
0xb6: {  	s3 =	rddreg [dreg:$0x2];
	[bflag:$0x3] =	sbarrier.arrive $0xFFFF;
	s2 =	simm.s32 @!p0 $0x1C02  }
0xb7: {  	[timem:s3], [sflag:s2] =	dma.local @!p0 [hbm:s0], s1  }
0xb8: {  	s0 =	simm.s32 @!p0 $0x2  }
0xb9: {  	_ =	swait.ge @!p0 [sflag:s0], s1  }
0xba: {  	s1 =	ssub.s32 @!p0 $0x0, s1;
	[sflag:s0] =	ssyncset.done @!p0 $0x0  }
0xbb: {  	[sflag:s0] =	ssyncadd.s32 @!p0 s1  }
0xbc: {  	[bflag:$0x3] =	sbarrier.arrive $0xFFFF  }
0xbd: {  	_ =	shalt  }

</sc_bundles>
